<compile_context>
chip_gen: v7x
topology: tpu7x:2x2x1
jax: 0.10.2.dev20260603
libtpu: 0.0.44.dev20260713+nightly
codegen_flags: <defaults>
</compile_context>

<pallas_src>
import functools

import jax
import jax.numpy as jnp
from jax import lax
from jax.experimental import pallas as pl
from jax.experimental.pallas import tpu as pltpu
from jax.experimental.pallas import tpu_sc as plsc

_LANES = 16


@functools.lru_cache(maxsize=None)
def _build_sc_kernel(a_dim: int):
    mesh = plsc.VectorSubcoreMesh(core_axis_name="c", subcore_axis_name="s",
                                  num_cores=1)
    info = plsc.get_sparse_core_info()
    num_cores, num_subcores = 1, info.num_subcores
    num_workers = num_cores * num_subcores
    chunk = a_dim // num_workers
    assert chunk % _LANES == 0 and chunk % 8 == 0

    @functools.partial(
        pl.kernel,
        mesh=mesh,
        out_type=jax.ShapeDtypeStruct((a_dim,), jnp.float32),
        scratch_types=[
            pltpu.VMEM((_LANES,), jnp.float32),
            pltpu.VMEM((chunk,), jnp.float32),
            pltpu.VMEM((chunk,), jnp.float32),
            pltpu.VMEM((chunk,), jnp.float32),
            pltpu.SemaphoreType.DMA,
        ],
    )
    def sc_kernel(cw_hbm, means_hbm, logsigs_hbm, eps_hbm, out_hbm,
                  cw_v, m_v, ls_v, e_v, sem):
        wid = lax.axis_index("s") * num_cores + lax.axis_index("c")
        base = wid * chunk
        c0 = pltpu.async_copy(cw_hbm, cw_v.at[pl.ds(0, 1)], sem)
        c1 = pltpu.async_copy(means_hbm.at[pl.ds(base, chunk)], m_v, sem)
        c2 = pltpu.async_copy(logsigs_hbm.at[pl.ds(base, chunk)], ls_v, sem)
        c3 = pltpu.async_copy(eps_hbm.at[pl.ds(base, chunk)], e_v, sem)
        c0.wait()
        c1.wait()
        c2.wait()
        c3.wait()
        cw = jnp.abs(jnp.full((_LANES,), cw_v[...][0], jnp.float32))
        w0 = cw / (cw + 1.0)
        for j in range(chunk // _LANES):
            sl = pl.ds(j * _LANES, _LANES)
            m_v[sl] = w0 * m_v[sl] + e_v[sl] * jnp.exp(ls_v[sl])
        pltpu.sync_copy(m_v, out_hbm.at[pl.ds(base, chunk)])

    return sc_kernel


def kernel(s, cweights, means, logsigs, logtemp, eps):
    a_dim = s.shape[0]
    out = _build_sc_kernel(a_dim)(
        cweights, means.reshape(a_dim), logsigs, eps.reshape(a_dim))
    return out.reshape(1, a_dim)

# --- scband reference (transcript-rebuilt; emitter-appended) ---
"""Pipeline reference for scband-metric-policy-30159260352726 (READ-ONLY COPY).

The authoritative reference and input builder live on the scoring server;
editing this copy changes nothing except your own understanding.
"""

import jax, jax.numpy as jnp
import numpy as np

A_DIM = 4096


def setup_inputs(seed: int = 0) -> dict:
    key = jax.random.key(seed)
    k1, k2 = jax.random.split(key)
    s = jax.random.normal(k1, (A_DIM,), dtype=jnp.float32)
    # learned parameters per __init__ (single active cluster k=0)
    cweights = jnp.array([1.0], dtype=jnp.float32)          # cweights_list[0]
    means = jnp.zeros((1, A_DIM), dtype=jnp.float32)         # means_list[0]
    logsigs = jnp.ones((A_DIM,), dtype=jnp.float32) * float(np.log(1.0))  # std_0 = 1.0
    logtemp = jnp.array(0.0, dtype=jnp.float32)              # buffer, not a parameter
    # reparameterized sampling noise for MultivariateNormal.sample()
    eps = jax.random.normal(k2, (1, A_DIM), dtype=jnp.float32)
    return {"s": s, "cweights": cweights, "means": means, "logsigs": logsigs,
            "logtemp": logtemp, "eps": eps}


def reference(s, cweights, means, logsigs, logtemp, eps):
    # forward(): centers lazily initialized from the (detached) first state
    centers = jax.lax.stop_gradient(s)[None, :]              # [1, a_dim]
    # get_weighted_means: promote 1-D s to batch of 1
    sb = s[None, :]                                          # [1, a_dim]
    # exp_dist
    dist = jnp.sum((sb[:, None, :] - centers[None, :, :]) ** 2, axis=-1)  # [1, 1]
    ed = jnp.exp(-jnp.exp(logtemp) * dist)
    # membership (soft clustering branch); Grad1Abs.forward == abs
    w = jnp.abs(cweights) * ed
    w = w / (jnp.sum(w, axis=-1, keepdims=True) + 1.0)
    mu = w @ means                                           # [1, a_dim]
    # distribution: MultivariateNormal(mu, scale_tril=diag(exp(logsigs))).sample()
    scale_tril = jnp.diag(jnp.exp(logsigs))                  # [a_dim, a_dim]
    sample = mu + eps @ scale_tril.T                         # [1, a_dim]
    return sample

if __name__ == "__main__":
    import jax
    _d = setup_inputs()
    print(jax.jit(kernel)(*tuple(_d.values())))

</pallas_src>

<mosaic_0001>
#map = affine_map<(d0, d1) -> (0)>
module attributes {stable_mosaic.version = 14 : i64} {
  func.func @sc_kernel(%arg0: i32, %arg1: i32, %arg2: memref<1xf32, #tpu.memory_space<hbm>>, %arg3: memref<4096xf32, #tpu.memory_space<hbm>>, %arg4: memref<4096xf32, #tpu.memory_space<hbm>>, %arg5: memref<4096xf32, #tpu.memory_space<hbm>>, %arg6: memref<4096xf32, #tpu.memory_space<hbm>>, %arg7: memref<16xf32, #tpu.memory_space<vmem>>, %arg8: memref<256xf32, #tpu.memory_space<vmem>>, %arg9: memref<256xf32, #tpu.memory_space<vmem>>, %arg10: memref<256xf32, #tpu.memory_space<vmem>>, %arg11: memref<!tpu.dma_semaphore, #tpu.memory_space<semaphore_mem>>) attributes {dimension_semantics = [#tpu.dimension_semantics<core_parallel>, #tpu.dimension_semantics<subcore_parallel>], iteration_bounds = array<i64: 1, 16>, scalar_prefetch = 0 : i64, scratch_operands = 5 : i64, tpu.core_type = #tpu.core_type<sc_vector_subcore>, window_params = [{transform_indices = #map}, {transform_indices = #map}, {transform_indices = #map}, {transform_indices = #map}, {transform_indices = #map}]} {
    %mul3A = arith.constant 1 : i32
    %mul3A_0 = arith.muli %arg1, %mul3A : i32
    %add3A = arith.addi %mul3A_0, %arg0 : i32
    %mul3A_1 = arith.constant 256 : i32
    %mul3A_2 = arith.muli %add3A, %mul3A_1 : i32
    %dma_start3A = arith.constant 0 : i32
    %dma_start3A_3 = tpu.memref_slice %arg7[%dma_start3A] : memref<16xf32, #tpu.memory_space<vmem>> -> memref<1xf32, #tpu.memory_space<vmem>>
    %dma_start3A_4 = arith.constant 0 : i32
    %dma_start3A_5 = tpu.memref_slice %arg7[%dma_start3A_4] : memref<16xf32, #tpu.memory_space<vmem>> -> memref<1xf32, #tpu.memory_space<vmem>>
    tpu.enqueue_dma source(%arg2 : memref<1xf32, #tpu.memory_space<hbm>>) target(%dma_start3A_5 : memref<1xf32, #tpu.memory_space<vmem>>) target_semaphore(%arg11 : memref<!tpu.dma_semaphore, #tpu.memory_space<semaphore_mem>>)
    %dma_start3A_6 = tpu.memref_slice %arg3[%mul3A_2] : memref<4096xf32, #tpu.memory_space<hbm>> -> memref<256xf32, #tpu.memory_space<hbm>>
    %dma_start3A_7 = tpu.memref_slice %arg3[%mul3A_2] : memref<4096xf32, #tpu.memory_space<hbm>> -> memref<256xf32, #tpu.memory_space<hbm>>
    tpu.enqueue_dma source(%dma_start3A_7 : memref<256xf32, #tpu.memory_space<hbm>>) target(%arg8 : memref<256xf32, #tpu.memory_space<vmem>>) target_semaphore(%arg11 : memref<!tpu.dma_semaphore, #tpu.memory_space<semaphore_mem>>)
    %dma_start3A_8 = tpu.memref_slice %arg4[%mul3A_2] : memref<4096xf32, #tpu.memory_space<hbm>> -> memref<256xf32, #tpu.memory_space<hbm>>
    %dma_start3A_9 = tpu.memref_slice %arg4[%mul3A_2] : memref<4096xf32, #tpu.memory_space<hbm>> -> memref<256xf32, #tpu.memory_space<hbm>>
    tpu.enqueue_dma source(%dma_start3A_9 : memref<256xf32, #tpu.memory_space<hbm>>) target(%arg9 : memref<256xf32, #tpu.memory_space<vmem>>) target_semaphore(%arg11 : memref<!tpu.dma_semaphore, #tpu.memory_space<semaphore_mem>>)
    %dma_start3A_10 = tpu.memref_slice %arg5[%mul3A_2] : memref<4096xf32, #tpu.memory_space<hbm>> -> memref<256xf32, #tpu.memory_space<hbm>>
    %dma_start3A_11 = tpu.memref_slice %arg5[%mul3A_2] : memref<4096xf32, #tpu.memory_space<hbm>> -> memref<256xf32, #tpu.memory_space<hbm>>
    tpu.enqueue_dma source(%dma_start3A_11 : memref<256xf32, #tpu.memory_space<hbm>>) target(%arg10 : memref<256xf32, #tpu.memory_space<vmem>>) target_semaphore(%arg11 : memref<!tpu.dma_semaphore, #tpu.memory_space<semaphore_mem>>)
    %dma_wait3A = arith.constant 0 : i32
    %dma_wait3A_12 = tpu.memref_slice %arg7[%dma_wait3A] : memref<16xf32, #tpu.memory_space<vmem>> -> memref<1xf32, #tpu.memory_space<vmem>>
    %dma_wait3A_13 = arith.constant 0 : i32
    %dma_wait3A_14 = tpu.memref_slice %arg7[%dma_wait3A_13] : memref<16xf32, #tpu.memory_space<vmem>> -> memref<1xf32, #tpu.memory_space<vmem>>
    tpu.wait_dma2 semaphore(%arg11 : memref<!tpu.dma_semaphore, #tpu.memory_space<semaphore_mem>>) src(%arg2 : memref<1xf32, #tpu.memory_space<hbm>>) dst(%dma_wait3A_14 : memref<1xf32, #tpu.memory_space<vmem>>)
    %dma_wait3A_15 = tpu.memref_slice %arg3[%mul3A_2] : memref<4096xf32, #tpu.memory_space<hbm>> -> memref<256xf32, #tpu.memory_space<hbm>>
    %dma_wait3A_16 = tpu.memref_slice %arg3[%mul3A_2] : memref<4096xf32, #tpu.memory_space<hbm>> -> memref<256xf32, #tpu.memory_space<hbm>>
    tpu.wait_dma2 semaphore(%arg11 : memref<!tpu.dma_semaphore, #tpu.memory_space<semaphore_mem>>) src(%dma_wait3A_16 : memref<256xf32, #tpu.memory_space<hbm>>) dst(%arg8 : memref<256xf32, #tpu.memory_space<vmem>>)
    %dma_wait3A_17 = tpu.memref_slice %arg4[%mul3A_2] : memref<4096xf32, #tpu.memory_space<hbm>> -> memref<256xf32, #tpu.memory_space<hbm>>
    %dma_wait3A_18 = tpu.memref_slice %arg4[%mul3A_2] : memref<4096xf32, #tpu.memory_space<hbm>> -> memref<256xf32, #tpu.memory_space<hbm>>
    tpu.wait_dma2 semaphore(%arg11 : memref<!tpu.dma_semaphore, #tpu.memory_space<semaphore_mem>>) src(%dma_wait3A_18 : memref<256xf32, #tpu.memory_space<hbm>>) dst(%arg9 : memref<256xf32, #tpu.memory_space<vmem>>)
    %dma_wait3A_19 = tpu.memref_slice %arg5[%mul3A_2] : memref<4096xf32, #tpu.memory_space<hbm>> -> memref<256xf32, #tpu.memory_space<hbm>>
    %dma_wait3A_20 = tpu.memref_slice %arg5[%mul3A_2] : memref<4096xf32, #tpu.memory_space<hbm>> -> memref<256xf32, #tpu.memory_space<hbm>>
    tpu.wait_dma2 semaphore(%arg11 : memref<!tpu.dma_semaphore, #tpu.memory_space<semaphore_mem>>) src(%dma_wait3A_20 : memref<256xf32, #tpu.memory_space<hbm>>) dst(%arg10 : memref<256xf32, #tpu.memory_space<vmem>>)
    %get3A = arith.constant 0 : index
    %get3A_21 = tpu.vector_load %arg7[%get3A] {strides = array<i32>} : memref<16xf32, #tpu.memory_space<vmem>>, vector<16xf32>,
    %get3A_22 = vector.shape_cast %get3A_21 : vector<16xf32> to vector<16xf32>
    %slice3A = vector.extract_strided_slice %get3A_22 {offsets = [0], sizes = [1], strides = [1]} : vector<16xf32> to vector<1xf32>
    %squeeze3A = vector.extract %slice3A[0] : f32 from vector<1xf32>
    %broadcast_in_dim3A = vector.broadcast %squeeze3A : f32 to vector<16xf32>
    %abs3A = math.absf %broadcast_in_dim3A : vector<16xf32>
    %add3A_23 = arith.constant 1.000000e+00 : f32
    %add3A_24 = vector.broadcast %add3A_23 : f32 to vector<16xf32>
    %add3A_25 = arith.addf %abs3A, %add3A_24 : vector<16xf32>
    %div3A = arith.divf %abs3A, %add3A_25 : vector<16xf32>
    %get3A_26 = arith.constant 0 : index
    %get3A_27 = tpu.vector_load %arg8[%get3A_26] {strides = array<i32>} : memref<256xf32, #tpu.memory_space<vmem>>, vector<16xf32>,
    %get3A_28 = vector.shape_cast %get3A_27 : vector<16xf32> to vector<16xf32>
    %mul3A_29 = arith.mulf %div3A, %get3A_28 : vector<16xf32>
    %get3A_30 = arith.constant 0 : index
    %get3A_31 = tpu.vector_load %arg10[%get3A_30] {strides = array<i32>} : memref<256xf32, #tpu.memory_space<vmem>>, vector<16xf32>,
    %get3A_32 = vector.shape_cast %get3A_31 : vector<16xf32> to vector<16xf32>
    %get3A_33 = arith.constant 0 : index
    %get3A_34 = tpu.vector_load %arg9[%get3A_33] {strides = array<i32>} : memref<256xf32, #tpu.memory_space<vmem>>, vector<16xf32>,
    %get3A_35 = vector.shape_cast %get3A_34 : vector<16xf32> to vector<16xf32>
    %exp3A = math.exp %get3A_35 : vector<16xf32>
    %mul3A_36 = arith.mulf %get3A_32, %exp3A : vector<16xf32>
    %add3A_37 = arith.addf %mul3A_29, %mul3A_36 : vector<16xf32>
    %swap3A = arith.constant 0 : index
    %swap3A_38 = tpu.vector_load %arg8[%swap3A] {strides = array<i32>} : memref<256xf32, #tpu.memory_space<vmem>>, vector<16xf32>,
    %swap3A_39 = vector.shape_cast %swap3A_38 : vector<16xf32> to vector<16xf32>
    %swap3A_40 = vector.shape_cast %add3A_37 : vector<16xf32> to vector<16xf32>
    tpu.vector_store %arg8[%swap3A], %swap3A_40 {strides = array<i32>} : memref<256xf32, #tpu.memory_space<vmem>>, vector<16xf32>,
    %get3A_41 = arith.constant 16 : index
    %get3A_42 = tpu.vector_load %arg8[%get3A_41] {strides = array<i32>} : memref<256xf32, #tpu.memory_space<vmem>>, vector<16xf32>,
    %get3A_43 = vector.shape_cast %get3A_42 : vector<16xf32> to vector<16xf32>
    %mul3A_44 = arith.mulf %div3A, %get3A_43 : vector<16xf32>
    %get3A_45 = arith.constant 16 : index
    %get3A_46 = tpu.vector_load %arg10[%get3A_45] {strides = array<i32>} : memref<256xf32, #tpu.memory_space<vmem>>, vector<16xf32>,
    %get3A_47 = vector.shape_cast %get3A_46 : vector<16xf32> to vector<16xf32>
    %get3A_48 = arith.constant 16 : index
    %get3A_49 = tpu.vector_load %arg9[%get3A_48] {strides = array<i32>} : memref<256xf32, #tpu.memory_space<vmem>>, vector<16xf32>,
    %get3A_50 = vector.shape_cast %get3A_49 : vector<16xf32> to vector<16xf32>
    %exp3A_51 = math.exp %get3A_50 : vector<16xf32>
    %mul3A_52 = arith.mulf %get3A_47, %exp3A_51 : vector<16xf32>
    %add3A_53 = arith.addf %mul3A_44, %mul3A_52 : vector<16xf32>
    %swap3A_54 = arith.constant 16 : index
    %swap3A_55 = tpu.vector_load %arg8[%swap3A_54] {strides = array<i32>} : memref<256xf32, #tpu.memory_space<vmem>>, vector<16xf32>,
    %swap3A_56 = vector.shape_cast %swap3A_55 : vector<16xf32> to vector<16xf32>
    %swap3A_57 = vector.shape_cast %add3A_53 : vector<16xf32> to vector<16xf32>
    tpu.vector_store %arg8[%swap3A_54], %swap3A_57 {strides = array<i32>} : memref<256xf32, #tpu.memory_space<vmem>>, vector<16xf32>,
    %get3A_58 = arith.constant 32 : index
    %get3A_59 = tpu.vector_load %arg8[%get3A_58] {strides = array<i32>} : memref<256xf32, #tpu.memory_space<vmem>>, vector<16xf32>,
    %get3A_60 = vector.shape_cast %get3A_59 : vector<16xf32> to vector<16xf32>
    %mul3A_61 = arith.mulf %div3A, %get3A_60 : vector<16xf32>
    %get3A_62 = arith.constant 32 : index
    %get3A_63 = tpu.vector_load %arg10[%get3A_62] {strides = array<i32>} : memref<256xf32, #tpu.memory_space<vmem>>, vector<16xf32>,
    %get3A_64 = vector.shape_cast %get3A_63 : vector<16xf32> to vector<16xf32>
    %get3A_65 = arith.constant 32 : index
    %get3A_66 = tpu.vector_load %arg9[%get3A_65] {strides = array<i32>} : memref<256xf32, #tpu.memory_space<vmem>>, vector<16xf32>,
    %get3A_67 = vector.shape_cast %get3A_66 : vector<16xf32> to vector<16xf32>
    %exp3A_68 = math.exp %get3A_67 : vector<16xf32>
    %mul3A_69 = arith.mulf %get3A_64, %exp3A_68 : vector<16xf32>
    %add3A_70 = arith.addf %mul3A_61, %mul3A_69 : vector<16xf32>
    %swap3A_71 = arith.constant 32 : index
    %swap3A_72 = tpu.vector_load %arg8[%swap3A_71] {strides = array<i32>} : memref<256xf32, #tpu.memory_space<vmem>>, vector<16xf32>,
    %swap3A_73 = vector.shape_cast %swap3A_72 : vector<16xf32> to vector<16xf32>
    %swap3A_74 = vector.shape_cast %add3A_70 : vector<16xf32> to vector<16xf32>
    tpu.vector_store %arg8[%swap3A_71], %swap3A_74 {strides = array<i32>} : memref<256xf32, #tpu.memory_space<vmem>>, vector<16xf32>,
    %get3A_75 = arith.constant 48 : index
    %get3A_76 = tpu.vector_load %arg8[%get3A_75] {strides = array<i32>} : memref<256xf32, #tpu.memory_space<vmem>>, vector<16xf32>,
    %get3A_77 = vector.shape_cast %get3A_76 : vector<16xf32> to vector<16xf32>
    %mul3A_78 = arith.mulf %div3A, %get3A_77 : vector<16xf32>
    %get3A_79 = arith.constant 48 : index
    %get3A_80 = tpu.vector_load %arg10[%get3A_79] {strides = array<i32>} : memref<256xf32, #tpu.memory_space<vmem>>, vector<16xf32>,
    %get3A_81 = vector.shape_cast %get3A_80 : vector<16xf32> to vector<16xf32>
    %get3A_82 = arith.constant 48 : index
    %get3A_83 = tpu.vector_load %arg9[%get3A_82] {strides = array<i32>} : memref<256xf32, #tpu.memory_space<vmem>>, vector<16xf32>,
    %get3A_84 = vector.shape_cast %get3A_83 : vector<16xf32> to vector<16xf32>
    %exp3A_85 = math.exp %get3A_84 : vector<16xf32>
    %mul3A_86 = arith.mulf %get3A_81, %exp3A_85 : vector<16xf32>
    %add3A_87 = arith.addf %mul3A_78, %mul3A_86 : vector<16xf32>
    %swap3A_88 = arith.constant 48 : index
    %swap3A_89 = tpu.vector_load %arg8[%swap3A_88] {strides = array<i32>} : memref<256xf32, #tpu.memory_space<vmem>>, vector<16xf32>,
    %swap3A_90 = vector.shape_cast %swap3A_89 : vector<16xf32> to vector<16xf32>
    %swap3A_91 = vector.shape_cast %add3A_87 : vector<16xf32> to vector<16xf32>
    tpu.vector_store %arg8[%swap3A_88], %swap3A_91 {strides = array<i32>} : memref<256xf32, #tpu.memory_space<vmem>>, vector<16xf32>,
    %get3A_92 = arith.constant 64 : index
    %get3A_93 = tpu.vector_load %arg8[%get3A_92] {strides = array<i32>} : memref<256xf32, #tpu.memory_space<vmem>>, vector<16xf32>,
    %get3A_94 = vector.shape_cast %get3A_93 : vector<16xf32> to vector<16xf32>
    %mul3A_95 = arith.mulf %div3A, %get3A_94 : vector<16xf32>
    %get3A_96 = arith.constant 64 : index
    %get3A_97 = tpu.vector_load %arg10[%get3A_96] {strides = array<i32>} : memref<256xf32, #tpu.memory_space<vmem>>, vector<16xf32>,
    %get3A_98 = vector.shape_cast %get3A_97 : vector<16xf32> to vector<16xf32>
    %get3A_99 = arith.constant 64 : index
    %get3A_100 = tpu.vector_load %arg9[%get3A_99] {strides = array<i32>} : memref<256xf32, #tpu.memory_space<vmem>>, vector<16xf32>,
    %get3A_101 = vector.shape_cast %get3A_100 : vector<16xf32> to vector<16xf32>
    %exp3A_102 = math.exp %get3A_101 : vector<16xf32>
    %mul3A_103 = arith.mulf %get3A_98, %exp3A_102 : vector<16xf32>
    %add3A_104 = arith.addf %mul3A_95, %mul3A_103 : vector<16xf32>
    %swap3A_105 = arith.constant 64 : index
    %swap3A_106 = tpu.vector_load %arg8[%swap3A_105] {strides = array<i32>} : memref<256xf32, #tpu.memory_space<vmem>>, vector<16xf32>,
    %swap3A_107 = vector.shape_cast %swap3A_106 : vector<16xf32> to vector<16xf32>
    %swap3A_108 = vector.shape_cast %add3A_104 : vector<16xf32> to vector<16xf32>
    tpu.vector_store %arg8[%swap3A_105], %swap3A_108 {strides = array<i32>} : memref<256xf32, #tpu.memory_space<vmem>>, vector<16xf32>,
    %get3A_109 = arith.constant 80 : index
    %get3A_110 = tpu.vector_load %arg8[%get3A_109] {strides = array<i32>} : memref<256xf32, #tpu.memory_space<vmem>>, vector<16xf32>,
    %get3A_111 = vector.shape_cast %get3A_110 : vector<16xf32> to vector<16xf32>
    %mul3A_112 = arith.mulf %div3A, %get3A_111 : vector<16xf32>
    %get3A_113 = arith.constant 80 : index
    %get3A_114 = tpu.vector_load %arg10[%get3A_113] {strides = array<i32>} : memref<256xf32, #tpu.memory_space<vmem>>, vector<16xf32>,
    %get3A_115 = vector.shape_cast %get3A_114 : vector<16xf32> to vector<16xf32>
    %get3A_116 = arith.constant 80 : index
    %get3A_117 = tpu.vector_load %arg9[%get3A_116] {strides = array<i32>} : memref<256xf32, #tpu.memory_space<vmem>>, vector<16xf32>,
    %get3A_118 = vector.shape_cast %get3A_117 : vector<16xf32> to vector<16xf32>
    %exp3A_119 = math.exp %get3A_118 : vector<16xf32>
    %mul3A_120 = arith.mulf %get3A_115, %exp3A_119 : vector<16xf32>
    %add3A_121 = arith.addf %mul3A_112, %mul3A_120 : vector<16xf32>
    %swap3A_122 = arith.constant 80 : index
    %swap3A_123 = tpu.vector_load %arg8[%swap3A_122] {strides = array<i32>} : memref<256xf32, #tpu.memory_space<vmem>>, vector<16xf32>,
    %swap3A_124 = vector.shape_cast %swap3A_123 : vector<16xf32> to vector<16xf32>
    %swap3A_125 = vector.shape_cast %add3A_121 : vector<16xf32> to vector<16xf32>
    tpu.vector_store %arg8[%swap3A_122], %swap3A_125 {strides = array<i32>} : memref<256xf32, #tpu.memory_space<vmem>>, vector<16xf32>,
    %get3A_126 = arith.constant 96 : index
    %get3A_127 = tpu.vector_load %arg8[%get3A_126] {strides = array<i32>} : memref<256xf32, #tpu.memory_space<vmem>>, vector<16xf32>,
    %get3A_128 = vector.shape_cast %get3A_127 : vector<16xf32> to vector<16xf32>
    %mul3A_129 = arith.mulf %div3A, %get3A_128 : vector<16xf32>
    %get3A_130 = arith.constant 96 : index
    %get3A_131 = tpu.vector_load %arg10[%get3A_130] {strides = array<i32>} : memref<256xf32, #tpu.memory_space<vmem>>, vector<16xf32>,
    %get3A_132 = vector.shape_cast %get3A_131 : vector<16xf32> to vector<16xf32>
    %get3A_133 = arith.constant 96 : index
    %get3A_134 = tpu.vector_load %arg9[%get3A_133] {strides = array<i32>} : memref<256xf32, #tpu.memory_space<vmem>>, vector<16xf32>,
    %get3A_135 = vector.shape_cast %get3A_134 : vector<16xf32> to vector<16xf32>
    %exp3A_136 = math.exp %get3A_135 : vector<16xf32>
    %mul3A_137 = arith.mulf %get3A_132, %exp3A_136 : vector<16xf32>
    %add3A_138 = arith.addf %mul3A_129, %mul3A_137 : vector<16xf32>
    %swap3A_139 = arith.constant 96 : index
    %swap3A_140 = tpu.vector_load %arg8[%swap3A_139] {strides = array<i32>} : memref<256xf32, #tpu.memory_space<vmem>>, vector<16xf32>,
    %swap3A_141 = vector.shape_cast %swap3A_140 : vector<16xf32> to vector<16xf32>
    %swap3A_142 = vector.shape_cast %add3A_138 : vector<16xf32> to vector<16xf32>
    tpu.vector_store %arg8[%swap3A_139], %swap3A_142 {strides = array<i32>} : memref<256xf32, #tpu.memory_space<vmem>>, vector<16xf32>,
    %get3A_143 = arith.constant 112 : index
    %get3A_144 = tpu.vector_load %arg8[%get3A_143] {strides = array<i32>} : memref<256xf32, #tpu.memory_space<vmem>>, vector<16xf32>,
    %get3A_145 = vector.shape_cast %get3A_144 : vector<16xf32> to vector<16xf32>
    %mul3A_146 = arith.mulf %div3A, %get3A_145 : vector<16xf32>
    %get3A_147 = arith.constant 112 : index
    %get3A_148 = tpu.vector_load %arg10[%get3A_147] {strides = array<i32>} : memref<256xf32, #tpu.memory_space<vmem>>, vector<16xf32>,
    %get3A_149 = vector.shape_cast %get3A_148 : vector<16xf32> to vector<16xf32>
    %get3A_150 = arith.constant 112 : index
    %get3A_151 = tpu.vector_load %arg9[%get3A_150] {strides = array<i32>} : memref<256xf32, #tpu.memory_space<vmem>>, vector<16xf32>,
    %get3A_152 = vector.shape_cast %get3A_151 : vector<16xf32> to vector<16xf32>
    %exp3A_153 = math.exp %get3A_152 : vector<16xf32>
    %mul3A_154 = arith.mulf %get3A_149, %exp3A_153 : vector<16xf32>
    %add3A_155 = arith.addf %mul3A_146, %mul3A_154 : vector<16xf32>
    %swap3A_156 = arith.constant 112 : index
    %swap3A_157 = tpu.vector_load %arg8[%swap3A_156] {strides = array<i32>} : memref<256xf32, #tpu.memory_space<vmem>>, vector<16xf32>,
    %swap3A_158 = vector.shape_cast %swap3A_157 : vector<16xf32> to vector<16xf32>
    %swap3A_159 = vector.shape_cast %add3A_155 : vector<16xf32> to vector<16xf32>
    tpu.vector_store %arg8[%swap3A_156], %swap3A_159 {strides = array<i32>} : memref<256xf32, #tpu.memory_space<vmem>>, vector<16xf32>,
    %get3A_160 = arith.constant 128 : index
    %get3A_161 = tpu.vector_load %arg8[%get3A_160] {strides = array<i32>} : memref<256xf32, #tpu.memory_space<vmem>>, vector<16xf32>,
    %get3A_162 = vector.shape_cast %get3A_161 : vector<16xf32> to vector<16xf32>
    %mul3A_163 = arith.mulf %div3A, %get3A_162 : vector<16xf32>
    %get3A_164 = arith.constant 128 : index
    %get3A_165 = tpu.vector_load %arg10[%get3A_164] {strides = array<i32>} : memref<256xf32, #tpu.memory_space<vmem>>, vector<16xf32>,
    %get3A_166 = vector.shape_cast %get3A_165 : vector<16xf32> to vector<16xf32>
    %get3A_167 = arith.constant 128 : index
    %get3A_168 = tpu.vector_load %arg9[%get3A_167] {strides = array<i32>} : memref<256xf32, #tpu.memory_space<vmem>>, vector<16xf32>,
    %get3A_169 = vector.shape_cast %get3A_168 : vector<16xf32> to vector<16xf32>
    %exp3A_170 = math.exp %get3A_169 : vector<16xf32>
    %mul3A_171 = arith.mulf %get3A_166, %exp3A_170 : vector<16xf32>
    %add3A_172 = arith.addf %mul3A_163, %mul3A_171 : vector<16xf32>
    %swap3A_173 = arith.constant 128 : index
    %swap3A_174 = tpu.vector_load %arg8[%swap3A_173] {strides = array<i32>} : memref<256xf32, #tpu.memory_space<vmem>>, vector<16xf32>,
    %swap3A_175 = vector.shape_cast %swap3A_174 : vector<16xf32> to vector<16xf32>
    %swap3A_176 = vector.shape_cast %add3A_172 : vector<16xf32> to vector<16xf32>
    tpu.vector_store %arg8[%swap3A_173], %swap3A_176 {strides = array<i32>} : memref<256xf32, #tpu.memory_space<vmem>>, vector<16xf32>,
    %get3A_177 = arith.constant 144 : index
    %get3A_178 = tpu.vector_load %arg8[%get3A_177] {strides = array<i32>} : memref<256xf32, #tpu.memory_space<vmem>>, vector<16xf32>,
    %get3A_179 = vector.shape_cast %get3A_178 : vector<16xf32> to vector<16xf32>
    %mul3A_180 = arith.mulf %div3A, %get3A_179 : vector<16xf32>
    %get3A_181 = arith.constant 144 : index
    %get3A_182 = tpu.vector_load %arg10[%get3A_181] {strides = array<i32>} : memref<256xf32, #tpu.memory_space<vmem>>, vector<16xf32>,
    %get3A_183 = vector.shape_cast %get3A_182 : vector<16xf32> to vector<16xf32>
    %get3A_184 = arith.constant 144 : index
    %get3A_185 = tpu.vector_load %arg9[%get3A_184] {strides = array<i32>} : memref<256xf32, #tpu.memory_space<vmem>>, vector<16xf32>,
    %get3A_186 = vector.shape_cast %get3A_185 : vector<16xf32> to vector<16xf32>
    %exp3A_187 = math.exp %get3A_186 : vector<16xf32>
    %mul3A_188 = arith.mulf %get3A_183, %exp3A_187 : vector<16xf32>
    %add3A_189 = arith.addf %mul3A_180, %mul3A_188 : vector<16xf32>
    %swap3A_190 = arith.constant 144 : index
    %swap3A_191 = tpu.vector_load %arg8[%swap3A_190] {strides = array<i32>} : memref<256xf32, #tpu.memory_space<vmem>>, vector<16xf32>,
    %swap3A_192 = vector.shape_cast %swap3A_191 : vector<16xf32> to vector<16xf32>
    %swap3A_193 = vector.shape_cast %add3A_189 : vector<16xf32> to vector<16xf32>
    tpu.vector_store %arg8[%swap3A_190], %swap3A_193 {strides = array<i32>} : memref<256xf32, #tpu.memory_space<vmem>>, vector<16xf32>,
    %get3A_194 = arith.constant 160 : index
    %get3A_195 = tpu.vector_load %arg8[%get3A_194] {strides = array<i32>} : memref<256xf32, #tpu.memory_space<vmem>>, vector<16xf32>,
    %get3A_196 = vector.shape_cast %get3A_195 : vector<16xf32> to vector<16xf32>
    %mul3A_197 = arith.mulf %div3A, %get3A_196 : vector<16xf32>
    %get3A_198 = arith.constant 160 : index
    %get3A_199 = tpu.vector_load %arg10[%get3A_198] {strides = array<i32>} : memref<256xf32, #tpu.memory_space<vmem>>, vector<16xf32>,
    %get3A_200 = vector.shape_cast %get3A_199 : vector<16xf32> to vector<16xf32>
    %get3A_201 = arith.constant 160 : index
    %get3A_202 = tpu.vector_load %arg9[%get3A_201] {strides = array<i32>} : memref<256xf32, #tpu.memory_space<vmem>>, vector<16xf32>,
    %get3A_203 = vector.shape_cast %get3A_202 : vector<16xf32> to vector<16xf32>
    %exp3A_204 = math.exp %get3A_203 : vector<16xf32>
    %mul3A_205 = arith.mulf %get3A_200, %exp3A_204 : vector<16xf32>
    %add3A_206 = arith.addf %mul3A_197, %mul3A_205 : vector<16xf32>
    %swap3A_207 = arith.constant 160 : index
    %swap3A_208 = tpu.vector_load %arg8[%swap3A_207] {strides = array<i32>} : memref<256xf32, #tpu.memory_space<vmem>>, vector<16xf32>,
    %swap3A_209 = vector.shape_cast %swap3A_208 : vector<16xf32> to vector<16xf32>
    %swap3A_210 = vector.shape_cast %add3A_206 : vector<16xf32> to vector<16xf32>
    tpu.vector_store %arg8[%swap3A_207], %swap3A_210 {strides = array<i32>} : memref<256xf32, #tpu.memory_space<vmem>>, vector<16xf32>,
    %get3A_211 = arith.constant 176 : index
    %get3A_212 = tpu.vector_load %arg8[%get3A_211] {strides = array<i32>} : memref<256xf32, #tpu.memory_space<vmem>>, vector<16xf32>,
    %get3A_213 = vector.shape_cast %get3A_212 : vector<16xf32> to vector<16xf32>
    %mul3A_214 = arith.mulf %div3A, %get3A_213 : vector<16xf32>
    %get3A_215 = arith.constant 176 : index
    %get3A_216 = tpu.vector_load %arg10[%get3A_215] {strides = array<i32>} : memref<256xf32, #tpu.memory_space<vmem>>, vector<16xf32>,
    %get3A_217 = vector.shape_cast %get3A_216 : vector<16xf32> to vector<16xf32>
    %get3A_218 = arith.constant 176 : index
    %get3A_219 = tpu.vector_load %arg9[%get3A_218] {strides = array<i32>} : memref<256xf32, #tpu.memory_space<vmem>>, vector<16xf32>,
    %get3A_220 = vector.shape_cast %get3A_219 : vector<16xf32> to vector<16xf32>
    %exp3A_221 = math.exp %get3A_220 : vector<16xf32>
    %mul3A_222 = arith.mulf %get3A_217, %exp3A_221 : vector<16xf32>
    %add3A_223 = arith.addf %mul3A_214, %mul3A_222 : vector<16xf32>
    %swap3A_224 = arith.constant 176 : index
    %swap3A_225 = tpu.vector_load %arg8[%swap3A_224] {strides = array<i32>} : memref<256xf32, #tpu.memory_space<vmem>>, vector<16xf32>,
    %swap3A_226 = vector.shape_cast %swap3A_225 : vector<16xf32> to vector<16xf32>
    %swap3A_227 = vector.shape_cast %add3A_223 : vector<16xf32> to vector<16xf32>
    tpu.vector_store %arg8[%swap3A_224], %swap3A_227 {strides = array<i32>} : memref<256xf32, #tpu.memory_space<vmem>>, vector<16xf32>,
    %get3A_228 = arith.constant 192 : index
    %get3A_229 = tpu.vector_load %arg8[%get3A_228] {strides = array<i32>} : memref<256xf32, #tpu.memory_space<vmem>>, vector<16xf32>,
    %get3A_230 = vector.shape_cast %get3A_229 : vector<16xf32> to vector<16xf32>
    %mul3A_231 = arith.mulf %div3A, %get3A_230 : vector<16xf32>
    %get3A_232 = arith.constant 192 : index
    %get3A_233 = tpu.vector_load %arg10[%get3A_232] {strides = array<i32>} : memref<256xf32, #tpu.memory_space<vmem>>, vector<16xf32>,
    %get3A_234 = vector.shape_cast %get3A_233 : vector<16xf32> to vector<16xf32>
    %get3A_235 = arith.constant 192 : index
    %get3A_236 = tpu.vector_load %arg9[%get3A_235] {strides = array<i32>} : memref<256xf32, #tpu.memory_space<vmem>>, vector<16xf32>,
    %get3A_237 = vector.shape_cast %get3A_236 : vector<16xf32> to vector<16xf32>
    %exp3A_238 = math.exp %get3A_237 : vector<16xf32>
    %mul3A_239 = arith.mulf %get3A_234, %exp3A_238 : vector<16xf32>
    %add3A_240 = arith.addf %mul3A_231, %mul3A_239 : vector<16xf32>
    %swap3A_241 = arith.constant 192 : index
    %swap3A_242 = tpu.vector_load %arg8[%swap3A_241] {strides = array<i32>} : memref<256xf32, #tpu.memory_space<vmem>>, vector<16xf32>,
    %swap3A_243 = vector.shape_cast %swap3A_242 : vector<16xf32> to vector<16xf32>
    %swap3A_244 = vector.shape_cast %add3A_240 : vector<16xf32> to vector<16xf32>
    tpu.vector_store %arg8[%swap3A_241], %swap3A_244 {strides = array<i32>} : memref<256xf32, #tpu.memory_space<vmem>>, vector<16xf32>,
    %get3A_245 = arith.constant 208 : index
    %get3A_246 = tpu.vector_load %arg8[%get3A_245] {strides = array<i32>} : memref<256xf32, #tpu.memory_space<vmem>>, vector<16xf32>,
    %get3A_247 = vector.shape_cast %get3A_246 : vector<16xf32> to vector<16xf32>
    %mul3A_248 = arith.mulf %div3A, %get3A_247 : vector<16xf32>
    %get3A_249 = arith.constant 208 : index
    %get3A_250 = tpu.vector_load %arg10[%get3A_249] {strides = array<i32>} : memref<256xf32, #tpu.memory_space<vmem>>, vector<16xf32>,
    %get3A_251 = vector.shape_cast %get3A_250 : vector<16xf32> to vector<16xf32>
    %get3A_252 = arith.constant 208 : index
    %get3A_253 = tpu.vector_load %arg9[%get3A_252] {strides = array<i32>} : memref<256xf32, #tpu.memory_space<vmem>>, vector<16xf32>,
    %get3A_254 = vector.shape_cast %get3A_253 : vector<16xf32> to vector<16xf32>
    %exp3A_255 = math.exp %get3A_254 : vector<16xf32>
    %mul3A_256 = arith.mulf %get3A_251, %exp3A_255 : vector<16xf32>
    %add3A_257 = arith.addf %mul3A_248, %mul3A_256 : vector<16xf32>
    %swap3A_258 = arith.constant 208 : index
    %swap3A_259 = tpu.vector_load %arg8[%swap3A_258] {strides = array<i32>} : memref<256xf32, #tpu.memory_space<vmem>>, vector<16xf32>,
    %swap3A_260 = vector.shape_cast %swap3A_259 : vector<16xf32> to vector<16xf32>
    %swap3A_261 = vector.shape_cast %add3A_257 : vector<16xf32> to vector<16xf32>
    tpu.vector_store %arg8[%swap3A_258], %swap3A_261 {strides = array<i32>} : memref<256xf32, #tpu.memory_space<vmem>>, vector<16xf32>,
    %get3A_262 = arith.constant 224 : index
    %get3A_263 = tpu.vector_load %arg8[%get3A_262] {strides = array<i32>} : memref<256xf32, #tpu.memory_space<vmem>>, vector<16xf32>,
    %get3A_264 = vector.shape_cast %get3A_263 : vector<16xf32> to vector<16xf32>
    %mul3A_265 = arith.mulf %div3A, %get3A_264 : vector<16xf32>
    %get3A_266 = arith.constant 224 : index
    %get3A_267 = tpu.vector_load %arg10[%get3A_266] {strides = array<i32>} : memref<256xf32, #tpu.memory_space<vmem>>, vector<16xf32>,
    %get3A_268 = vector.shape_cast %get3A_267 : vector<16xf32> to vector<16xf32>
    %get3A_269 = arith.constant 224 : index
    %get3A_270 = tpu.vector_load %arg9[%get3A_269] {strides = array<i32>} : memref<256xf32, #tpu.memory_space<vmem>>, vector<16xf32>,
    %get3A_271 = vector.shape_cast %get3A_270 : vector<16xf32> to vector<16xf32>
    %exp3A_272 = math.exp %get3A_271 : vector<16xf32>
    %mul3A_273 = arith.mulf %get3A_268, %exp3A_272 : vector<16xf32>
    %add3A_274 = arith.addf %mul3A_265, %mul3A_273 : vector<16xf32>
    %swap3A_275 = arith.constant 224 : index
    %swap3A_276 = tpu.vector_load %arg8[%swap3A_275] {strides = array<i32>} : memref<256xf32, #tpu.memory_space<vmem>>, vector<16xf32>,
    %swap3A_277 = vector.shape_cast %swap3A_276 : vector<16xf32> to vector<16xf32>
    %swap3A_278 = vector.shape_cast %add3A_274 : vector<16xf32> to vector<16xf32>
    tpu.vector_store %arg8[%swap3A_275], %swap3A_278 {strides = array<i32>} : memref<256xf32, #tpu.memory_space<vmem>>, vector<16xf32>,
    %get3A_279 = arith.constant 240 : index
    %get3A_280 = tpu.vector_load %arg8[%get3A_279] {strides = array<i32>} : memref<256xf32, #tpu.memory_space<vmem>>, vector<16xf32>,
    %get3A_281 = vector.shape_cast %get3A_280 : vector<16xf32> to vector<16xf32>
    %mul3A_282 = arith.mulf %div3A, %get3A_281 : vector<16xf32>
    %get3A_283 = arith.constant 240 : index
    %get3A_284 = tpu.vector_load %arg10[%get3A_283] {strides = array<i32>} : memref<256xf32, #tpu.memory_space<vmem>>, vector<16xf32>,
    %get3A_285 = vector.shape_cast %get3A_284 : vector<16xf32> to vector<16xf32>
    %get3A_286 = arith.constant 240 : index
    %get3A_287 = tpu.vector_load %arg9[%get3A_286] {strides = array<i32>} : memref<256xf32, #tpu.memory_space<vmem>>, vector<16xf32>,
    %get3A_288 = vector.shape_cast %get3A_287 : vector<16xf32> to vector<16xf32>
    %exp3A_289 = math.exp %get3A_288 : vector<16xf32>
    %mul3A_290 = arith.mulf %get3A_285, %exp3A_289 : vector<16xf32>
    %add3A_291 = arith.addf %mul3A_282, %mul3A_290 : vector<16xf32>
    %swap3A_292 = arith.constant 240 : index
    %swap3A_293 = tpu.vector_load %arg8[%swap3A_292] {strides = array<i32>} : memref<256xf32, #tpu.memory_space<vmem>>, vector<16xf32>,
    %swap3A_294 = vector.shape_cast %swap3A_293 : vector<16xf32> to vector<16xf32>
    %swap3A_295 = vector.shape_cast %add3A_291 : vector<16xf32> to vector<16xf32>
    tpu.vector_store %arg8[%swap3A_292], %swap3A_295 {strides = array<i32>} : memref<256xf32, #tpu.memory_space<vmem>>, vector<16xf32>,
    "tpu.region"() ({
      %run_scoped3A = tpu.sem_alloc : memref<!tpu.dma_semaphore, #tpu.memory_space<semaphore_mem>>
      %dma_start3A_296 = tpu.memref_slice %arg6[%mul3A_2] : memref<4096xf32, #tpu.memory_space<hbm>> -> memref<256xf32, #tpu.memory_space<hbm>>
      %dma_start3A_297 = tpu.memref_slice %arg6[%mul3A_2] : memref<4096xf32, #tpu.memory_space<hbm>> -> memref<256xf32, #tpu.memory_space<hbm>>
      tpu.enqueue_dma source(%arg8 : memref<256xf32, #tpu.memory_space<vmem>>) target(%dma_start3A_297 : memref<256xf32, #tpu.memory_space<hbm>>) target_semaphore(%run_scoped3A : memref<!tpu.dma_semaphore, #tpu.memory_space<semaphore_mem>>)
      %dma_wait3A_298 = tpu.memref_slice %arg6[%mul3A_2] : memref<4096xf32, #tpu.memory_space<hbm>> -> memref<256xf32, #tpu.memory_space<hbm>>
      %dma_wait3A_299 = tpu.memref_slice %arg6[%mul3A_2] : memref<4096xf32, #tpu.memory_space<hbm>> -> memref<256xf32, #tpu.memory_space<hbm>>
      tpu.wait_dma2 semaphore(%run_scoped3A : memref<!tpu.dma_semaphore, #tpu.memory_space<semaphore_mem>>) src(%arg8 : memref<256xf32, #tpu.memory_space<vmem>>) dst(%dma_wait3A_299 : memref<256xf32, #tpu.memory_space<hbm>>)
      tpu.yield
    }) : () -> ()
    return
  }
}

</mosaic_0001>

<sc_bundles>
// kernel: kernel.3.cloned.1.call-start
scs
__scs_entry_jumppad:
0x0: {  	(pc) =	sbr.rel $0x88, $3  }
0x1: {  	(tag) =	ssettag $0x0;
	lr =	simm.s32 $0x1  }
0x2: {  	[smem:$0x3F9D] =	sst lr;
	_ =	strace $0xD0000000  }
0x3: {  	_ = 	snop  }
0x4: {  	_ = 	snop  }
0x5: {  	_ = 	snop  }
0x6: {  	_ = 	snop  }
0x7: {  	_ = 	snop  }
__scs_overlays_trampoline_lowered:
0x8: {  	[smem:$0x3FAC] =	sst s0  }
0x9: {  	[smem:$0x3FAD] =	sst s1  }
0xa: {  	[smem:$0x3FAE] =	sst s2  }
0xb: {  	[smem:$0x3FAF] =	sst s3  }
0xc: {  	[smem:$0x3FB0] =	sst s4  }
0xd: {  	[smem:$0x3FB1] =	sst s5  }
0xe: {  	[smem:$0x3FB2] =	sst s6  }
0xf: {  	[smem:$0x3FB3] =	sst s7  }
0x10: {  	[smem:$0x3FB4] =	sst s8  }
0x11: {  	[smem:$0x3FB5] =	sst s9;
	s0 =	simm.s32 @!p0 $0x0  }
0x12: {  	s1 =	sld [smem:$0x3F9B];
	s0 =	simm.s32 @p0 $0x1  }
0x13: {  	[smem:$0x3FB6] =	sst s0;
	s0 =	simm.s32 @!p1 $0x0  }
0x14: {  	s2 =	sld [smem:$0x3F9A];
	s0 =	simm.s32 @p1 $0x1  }
0x15: {  	[smem:$0x3FB7] =	sst s0;
	s0 =	simm.s32 @!p2 $0x0  }
0x16: {  	s3 =	sld [smem:$0x3FDB];
	s0 =	simm.s32 @p2 $0x1  }
0x17: {  	s4 =	simm.s32 $0x1BF5;
	[smem:$0x3FB9] =	sst s0  }
0x18: {  	s0 =	sld [smem:$0x3F9C];
	_ =	swait.ge [sflag:s4], $0x0  }
0x19: {  	s7 =	sld [smem:$0x3F9D]  }
0x1a: {  	s8 =	sadd.s32 $0xFFFFE003, lr  }
0x1b: {  	s9 =	sadd.s32 $0xFFFFFEF7, lr;
	s5 =	simm.s32 $0xFFFFFFFF;
	p2 =	slt.u32 s8, $0xFFFFF086  }
0x1c: {  	p1 =	slt.u32 s9, $0xF7A;
	s5 =	simm.s32 @!p2 $0x0  }
0x1d: {  	s5 =	simm.s32 @p1 $0x1;
	p0 =	seq.s32 s7, s2  }
0x1e: {  	s7 =	smul.u32 @!p0 $0xF7A, s2;
	p2 =	seq.s32 @!p0 s5, $0x0  }
0x1f: {  	s9 =	smul.u32 $0xF7A, s1;
	s8 =	simm.s32 @!p0 $0x1BF5;
	p2 =	por !p2, p0  }
0x20: {  	[sflag:s8] =	ssyncset.s32 @!p0 $0xFFFFF086;
	s6 =	sadd.s32 @!p0 s3, s7;
	s7 =	simm.s32 @!p0 $0x108  }
0x21: {  	s3 =	sadd.s32 s3, s9;
	s6 =	sadd.s32 @!p0 $0x88, s6;
	s7 =	simm.s32 @p2 $0x1082  }
0x22: {  	[simem:s7], [sflag:s8] =	dma.local @!p0 [hbm:s6], $0xF7A  }
0x23: {  	s9 =	sor.u32 $0xD0000000, s2;
	s6 =	simm.s32 $0x108;
	_ =	swait.ge @!p0 [sflag:s8], $0x0  }
0x24: {  	s3 =	sadd.s32 $0x88, s3;
	s6 =	simm.s32 @!p1 $0x1082;
	[sflag:s4] =	ssyncset.s32 $0xFFFFF086  }
0x25: {  	[simem:s6], [sflag:s4] =	dma.local [hbm:s3], $0xF7A  }
0x26: {  	[smem:$0x3F9D] =	sst s1;
	(tag) =	ssettag s2;
	_ =	strace s9  }
0x27: {  	s1 =	sld [smem:$0x3FAD]  }
0x28: {  	s2 =	sld [smem:$0x3FAE]  }
0x29: {  	s4 =	sld [smem:$0x3FB0]  }
0x2a: {  	p0 =	seq.s32 s5, $0x0;
	s5 =	sld [smem:$0x3FB1]  }
0x2b: {  	s6 =	sld [smem:$0x3FB2]  }
0x2c: {  	s7 =	sld [smem:$0x3FB3]  }
0x2d: {  	s3 =	simm.s32 $0x108;
	s8 =	sld [smem:$0x3FB4]  }
0x2e: {  	s3 =	simm.s32 @!p0 $0x1082;
	s9 =	sld [smem:$0x3FB5]  }
0x2f: {  	lr =	sadd.s32 s0, s3;
	s0 =	sld [smem:$0x3FAC]  }
0x30: {  	s3 =	sld [smem:$0x3FAF]  }
0x31: {  	[smem:$0x3FB8] =	sst s10  }
0x32: {  	s10 =	sld [smem:$0x3FB6];
	_ =	sdelay $0x3  }
0x33: {  	p0 =	seq.s32 s10, $0x1;
	s10 =	sld [smem:$0x3FB8];
	_ =	sdelay $0x3  }
0x34: {  	[smem:$0x3FB8] =	sst s10  }
0x35: {  	s10 =	sld [smem:$0x3FB7];
	_ =	sdelay $0x3  }
0x36: {  	p1 =	seq.s32 s10, $0x1;
	s10 =	sld [smem:$0x3FB8];
	_ =	sdelay $0x3  }
0x37: {  	[smem:$0x3FB8] =	sst s10  }
0x38: {  	s10 =	sld [smem:$0x3FB9]  }
0x39: {  	_ = 	snop;
	(pc) =	sbr.ind lr, $3  }
0x3a: {  	_ = 	snop  }
0x3b: {  	_ = 	snop  }
0x3c: {  	p2 =	seq.s32 s10, $0x1;
	s10 =	sld [smem:$0x3FB8]  }
0x3d: {  	_ =	shalt  }
0x3e: {  	_ =	shalt  }
0x3f: {  	_ =	shalt  }
0x40: {  	_ =	shalt  }
0x41: {  	_ =	shalt  }
0x42: {  	_ =	shalt  }
0x43: {  	_ =	shalt  }
0x44: {  	_ =	shalt  }
0x45: {  	_ =	shalt  }
0x46: {  	_ =	shalt  }
0x47: {  	_ =	shalt  }
0x48: {  	_ =	shalt  }
0x49: {  	_ =	shalt  }
0x4a: {  	_ =	shalt  }
0x4b: {  	_ =	shalt  }
0x4c: {  	_ =	shalt  }
0x4d: {  	_ =	shalt  }
0x4e: {  	_ =	shalt  }
0x4f: {  	_ =	shalt  }
0x50: {  	_ =	shalt  }
0x51: {  	_ =	shalt  }
0x52: {  	_ =	shalt  }
0x53: {  	_ =	shalt  }
0x54: {  	_ =	shalt  }
0x55: {  	_ =	shalt  }
0x56: {  	_ =	shalt  }
0x57: {  	_ =	shalt  }
0x58: {  	_ =	shalt  }
0x59: {  	_ =	shalt  }
0x5a: {  	_ =	shalt  }
0x5b: {  	_ =	shalt  }
0x5c: {  	_ =	shalt  }
0x5d: {  	_ =	shalt  }
0x5e: {  	_ =	shalt  }
0x5f: {  	_ =	shalt  }
0x60: {  	_ =	shalt  }
0x61: {  	_ =	shalt  }
0x62: {  	_ =	shalt  }
0x63: {  	_ =	shalt  }
0x64: {  	_ =	shalt  }
0x65: {  	_ =	shalt  }
0x66: {  	_ =	shalt  }
0x67: {  	_ =	shalt  }
0x68: {  	_ =	shalt  }
0x69: {  	_ =	shalt  }
0x6a: {  	_ =	shalt  }
0x6b: {  	_ =	shalt  }
0x6c: {  	_ =	shalt  }
0x6d: {  	_ =	shalt  }
0x6e: {  	_ =	shalt  }
0x6f: {  	_ =	shalt  }
0x70: {  	_ =	shalt  }
0x71: {  	_ =	shalt  }
0x72: {  	_ =	shalt  }
0x73: {  	_ =	shalt  }
0x74: {  	_ =	shalt  }
0x75: {  	_ =	shalt  }
0x76: {  	_ =	shalt  }
0x77: {  	_ =	shalt  }
0x78: {  	_ =	shalt  }
0x79: {  	_ =	shalt  }
0x7a: {  	_ =	shalt  }
0x7b: {  	_ =	shalt  }
0x7c: {  	_ =	shalt  }
0x7d: {  	_ =	shalt  }
0x7e: {  	_ =	shalt  }
0x7f: {  	_ =	shalt  }
0x80: {  	_ =	shalt  }
0x81: {  	_ =	shalt  }
0x82: {  	_ =	shalt  }
0x83: {  	_ =	shalt  }
0x84: {  	_ =	shalt  }
0x85: {  	_ =	shalt  }
0x86: {  	_ =	shalt  }
0x87: {  	_ =	shalt  }
.Lfunc_end0:
.L_simem_size_0:
called_computation_lowered:
.L_overlay_start_0:
0x88: {  	s0 =	sld [smem:$0x3FD9]  }
0x89: {  	s1 =	sld [smem:$0x3FFE];
	_ =	sdelay $0x3  }
0x8a: {  	s0 =	sadd.s32 s1, s0  }
0x8b: {  	[smem:$0x3FC4] =	sst s0  }
0x8c: {  	_ = 	snop  }
0x8d: {  	s0 =	sld [smem:$0x3FC9]  }
0x8e: {  	s17 =	sld [smem:$0x3FC8]  }
0x8f: {  	s2 =	sld [smem:$0x3FC7]  }
0x90: {  	s3 =	sld [smem:$0x3FC6]  }
0x91: {  	s4 =	sld [smem:$0x3FD0];
	(tm) =	ssettm $0x1  }
0x92: {  	s5 =	sld [smem:$0x3FFB];
	_ =	sdelay $0x3  }
0x93: {  	_ =	strace s5  }
0x94: {  	s5 =	sld [smem:$0x3FFC];
	_ =	sdelay $0x3  }
0x95: {  	_ =	strace s5  }
0x96: {  	s5 =	sld [smem:$0x3FFD];
	_ =	sdelay $0x3  }
0x97: {  	_ =	strace s5  }
0x98: {  	_ =	strace $0x8FFFFFFF  }
0x99: {  	s18 =	sld [smem:$0x3FDB];
	_ =	sdelay $0x1  }
0x9a: {  	s6 =	simm.s32 $_scs_section_size  }
0x9b: {  	s7 =	simm.s32 $_size__tile_overlayer_lowered;
	s8 =	simm.s32 $_tile_overlayer_lowered  }
0x9c: {  	s21 =	simm.s32 $0x1BFF;
	s20 =	sshll.u32 s8, $0x1;
	s5 =	sadd.s32 s6, s18  }
0x9d: {  	s9 =	simm.s32 $0x0;
	s19 =	sshll.u32 s7, $0x1;
	s7 =	sadd.s32 s20, s5  }
0x9e: {  	[timem:s9], [sflag:s21] =	dma.local [hbm:s7], s19  }
0x9f: {  	_ =	swait.ge [sflag:s21], s19  }
0xa0: {  	s6 =	ssub.s32 $0x0, s19;
	[sflag:s21] =	ssyncset.done $0x0  }
0xa1: {  	[sflag:s21] =	ssyncadd.s32 s6;
	_ =	sdelay $0x1  }
0xa2: {  	s22 =	simm.s32 $0x1B8B  }
0xa3: {  	_ =	swait.ge [sflag:s22], $0x1  }
0xa4: {  	[sflag:s22] =	ssyncset.done $0x0  }
0xa5: {  	s23 =	simm.s32 $0x1B8E;
	[sflag:s22] =	ssyncadd.s32 $0xFFFFFFFF  }
0xa6: {  	s24 =	simm.s32 $execute0_lowered;
	[smem:$0x3FD2] =	sst s23  }
0xa7: {  	s6 =	sshll.u32 s24, $0x1;
	_ =	strace $0x80000046;
	[dreg:$0x1] =	wrdreg $0xFFFFFFFF  }
0xa8: {  	s25 =	simm.s32 $_size_execute0_lowered;
	s5 =	sadd.s32 s5, s6;
	[dreg:$0x0] =	wrdreg $0x0  }
0xa9: {  	s6 =	sshll.u32 s25, $0x1;
	[dreg:$0x2] =	wrdreg s5  }
0xaa: {  	[dreg:$0x3] =	wrdreg s6  }
0xab: {  	[dreg:$0x4] =	wrdreg $0xC0  }
0xac: {  	_ =	task [dreg:s9], $0x5FFFF  }
0xad: {  	[dreg:$0x1] =	wrdreg $0xFFFFFFFF  }
0xae: {  	[dreg:$0x0] =	wrdreg $0x60  }
0xaf: {  	[dreg:$0x2] =	wrdreg s0  }
0xb0: {  	[dreg:$0x3] =	wrdreg s17  }
0xb1: {  	[dreg:$0x4] =	wrdreg s2  }
0xb2: {  	[dreg:$0x5] =	wrdreg s3  }
0xb3: {  	[dreg:$0x6] =	wrdreg s4  }
0xb4: {  	[dreg:$0x7] =	wrdreg $0x9  }
0xb5: {  	_ =	task.clear_ibuf [dreg:s9], $0x8FFFF;
	_ =	strace $0x90000046  }
0xb6: {  	s26 =	simm.s32 $0x9;
	_ =	strace $0x80000048  }
0xb7: {  	_ =	swait.ge [sflag:s26], $0x1  }
0xb8: {  	[sflag:s26] =	ssyncadd.s32 $0xFFFFFFFF  }
0xb9: {  	_ =	strace $0x90000048  }
0xba: {  	_ =	sfence  }
0xbb: {  	s28 =	sld [smem:$0x0];
	_ =	sdelay $0x1  }
0xbc: {  	s29 =	srdreg.scid  }
0xbd: {  	s30 =	sshll.u32 s29, $0xD;
	s31 =	sshrl.u32 s29, $0x2  }
0xbe: {  	s1 =	sand.u32 $0x1, s29;
	s2 =	sand.u32 $0x4000, s30;
	s0 =	sadd.s32 s31, s28  }
0xbf: {  	s1 =	sor.u32 s2, s1;
	s0 =	sshll.u32 s0, $0x11  }
0xc0: {  	s0 =	sor.u32 s0, s1  }
0xc1: {  	s0 =	sadd.s32 $0x8F2B, s0  }
0xc2: {  	[sflag:s0] =	ssyncadd.remote.s32 $0x1  }
0xc3: {  	_ =	sfence.sel $0xFFFF  }
0xc4: {  	[dreg:$0x0] =	wrdreg $0xFFFFFFFF;
	(pc) =	sbr.abs _section_cstart, $3  }
0xc5: {  	[dreg:$0x1] =	wrdreg $0xFFFFFFFF  }
0xc6: {  	_ =	task.clear_ibuf [dreg:s9], $0x2FFFF;
	_ =	strace $0x9FFFFFFF  }
0xc7: {  	(tm) =	ssettm $0x7FFFFFFF  }
tec
execute0_lowered:
.L_overlay_start_1:
0x0: {  	(tag) =	ssettag $0x1  }
0x1: {  	s5 =	rddreg [dreg:$0x0]  }
0x2: {  	s6 =	rddreg [dreg:$0x1]  }
0x3: {  	s7 =	rddreg [dreg:$0x2]  }
0x4: {  	s8 =	rddreg [dreg:$0x3]  }
0x5: {  	s2 =	rddreg [dreg:$0x4];
	s3 =	simm.s32 $0x0  }
0x6: {  	s1 =	stileid.u32;
	[smem:$0x7FF] =	sst s3  }
0x7: {  	s0 =	rddreg [dreg:$0x5];
	s4 =	sshll.u32 s1, $0x5;
	_ =	strace $0x80000047  }
0x8: {  	[tilespmem:s3], [sflag:$0x1] =	stream.linear.gather [hbm4b:s5+s3], $0x1, $0x38;
	[tilespmem:$0x380] =	vst v63  }
0x9: {  	s24 =	simm.s32 $0x80;
	s6 =	sadd.s32 s6, s4  }
0xa: {  	[tilespmem:s24], [sflag:$0x1] =	stream.linear.gather [hbm4b:s6+s3], $0x100, $0x38;
	[tilespmem:$0x380] =	vst v63  }
0xb: {  	s26 =	simm.s32 $0x180;
	s25 =	sadd.s32 s7, s4  }
0xc: {  	[tilespmem:s26], [sflag:$0x1] =	stream.linear.gather [hbm4b:s25+s3], $0x100, $0x38;
	[tilespmem:$0x380] =	vst v63  }
0xd: {  	s29 =	simm.s32 $0x280;
	s30 =	simm.s32 $0x1;
	s28 =	sadd.s32 s8, s4  }
0xe: {  	[tilespmem:s29], [sflag:$0x1] =	stream.linear.gather [hbm4b:s28+s3], $0x100, $0x38;
	[tilespmem:$0x380] =	vst v63  }
0xf: {  	_ =	swait.ge [sflag:s30], $0x1  }
0x10: {  	[sflag:s30] =	ssyncset.done $0x0  }
0x11: {  	[sflag:s30] =	ssyncadd.s32 $0xFFFFFFFF  }
0x12: {  	_ =	swait.ge [sflag:s30], $0x100  }
0x13: {  	[sflag:s30] =	ssyncset.done $0x0  }
0x14: {  	[sflag:s30] =	ssyncadd.s32 $0xFFFFFF00  }
0x15: {  	_ =	swait.ge [sflag:s30], $0x100  }
0x16: {  	[sflag:s30] =	ssyncset.done $0x0  }
0x17: {  	[sflag:s30] =	ssyncadd.s32 $0xFFFFFF00  }
0x18: {  	_ =	swait.ge [sflag:s30], $0x100  }
0x19: {  	[sflag:s30] =	ssyncset.done $0x0  }
0x1a: {  	[sflag:s30] =	ssyncadd.s32 $0xFFFFFF00  }
0x1b: {  	v0 =	vld [tilespmem:$0x0]  }
0x1c: {  	v1 =	vld [tilespmem:$0x80]  }
0x1d: {  	v2 =	vld [tilespmem:$0x280]  }
0x1e: {  	v3 =	vld [tilespmem:$0x180]  }
0x1f: {  	v4 =	vld [tilespmem:$0x90]  }
0x20: {  	v5 =	vld [tilespmem:$0x290]  }
0x21: {  	v6 =	vld [tilespmem:$0x190]  }
0x22: {  	v7 =	vld [tilespmem:$0xA0]  }
0x23: {  	v8 =	vld [tilespmem:$0x2A0]  }
0x24: {  	v9 =	vld [tilespmem:$0x1A0]  }
0x25: {  	v10 =	vld [tilespmem:$0xB0]  }
0x26: {  	v11 =	vld [tilespmem:$0x2B0]  }
0x27: {  	v12 =	vld [tilespmem:$0x1B0]  }
0x28: {  	v14 =	vld [tilespmem:$0xC0]  }
0x29: {  	v15 =	vld [tilespmem:$0x2C0]  }
0x2a: {  	v61 =	vld [tilespmem:$0x1C0]  }
0x2b: {  	v16 =	vld [tilespmem:$0xD0]  }
0x2c: {  	v31 =	vld [tilespmem:$0x1D0];
	v0 =	vand.u32 $0x7FFFFFFF, v0  }
0x2d: {  	v17 =	vld [tilespmem:$0x1E0];
	v0 =	vbroadcast v0, $0x0  }
0x2e: {  	v20 =	vld [tilespmem:$0x1F0]  }
0x2f: {  	v23 =	vld [tilespmem:$0x200];
	v13 =	vadd.f32 $1.000000000e+00, v0  }
0x30: {  	v40 =	vld [tilespmem:$0x210];
	v3 =	vmul.f32 $1.442695020e+00, v3;
	v6 =	vmul.f32 $1.442695020e+00, v6  }
0x31: {  	v27 =	vld [tilespmem:$0x220];
	v62 =	vmul.f32 $1.442695020e+00, v9;
	(erf) = vrcp.f32 v13  }
0x32: {  	v43 =	vld [tilespmem:$0x240];
	v30 =	vmul.f32 $1.442695020e+00, v12;
	(erf) = vpow2.f32 v3  }
0x33: {  	v45 =	vld [tilespmem:$0x250];
	v33 =	vmul.f32 $1.442695020e+00, v61;
	(erf) = vpow2.f32 v6  }
0x34: {  	v47 =	vld [tilespmem:$0x260];
	v12 =	vmul.f32 $1.442695020e+00, v31;
	(erf) = vpow2.f32 v62  }
0x35: {  	v49 =	vld [tilespmem:$0x270];
	v17 =	vmul.f32 $1.442695020e+00, v17;
	(erf) = vpow2.f32 v30  }
0x36: {  	v63 =	vld [tilespmem:$0x2D0];
	v42 =	vmul.f32 $1.442695020e+00, v20;
	(erf) = vpow2.f32 v33  }
0x37: {  	v32 =	vld [tilespmem:$0xE0];
	v44 =	vmul.f32 $1.442695020e+00, v23;
	v46 =	vmul.f32 $1.442695020e+00, v40  }
0x38: {  	v34 =	vld [tilespmem:$0x2E0];
	v48 =	vmul.f32 $1.442695020e+00, v27;
	v20 =	vmul.f32 $1.442695020e+00, v43  }
0x39: {  	v35 =	vld [tilespmem:$0xF0];
	v23 =	vmul.f32 $1.442695020e+00, v45;
	v54 =	vmul.f32 $1.442695020e+00, v47  }
0x3a: {  	v18 =	vld [tilespmem:$0x2F0];
	v56 =	vmul.f32 $1.442695020e+00, v49;
	v19 =	vpop (erf);
	(erf) = vpow2.f32 v12  }
0x3b: {  	v41 =	vld [tilespmem:$0x230];
	v0 =	vmul.f32 v19, v0;
	v21 =	vpop (erf);
	(erf) = vpow2.f32 v17  }
0x3c: {  	v36 =	vld [tilespmem:$0x100];
	v2 =	vmul.f32 v21, v2;
	v37 =	vpop (erf);
	(erf) = vpow2.f32 v42  }
0x3d: {  	v22 =	vld [tilespmem:$0x300];
	v1 =	vmul.f32 v0, v1;
	v4 =	vmul.f32 v4, v0;
	v38 =	vpop (erf)  }
0x3e: {  	v24 =	vld [tilespmem:$0x110];
	v5 =	vmul.f32 v37, v5;
	(erf) = vpow2.f32 v44;
	v39 =	vpop (erf)  }
0x3f: {  	v25 =	vld [tilespmem:$0x310];
	v7 =	vmul.f32 v7, v0;
	(erf) = vpow2.f32 v46;
	v26 =	vpop (erf)  }
0x40: {  	v50 =	vld [tilespmem:$0x120];
	v15 =	vmul.f32 v26, v15;
	v26 =	vmul.f32 $1.442695020e+00, v41  }
0x41: {  	v51 =	vld [tilespmem:$0x320];
	v10 =	vmul.f32 v10, v0;
	(erf) = vpow2.f32 v48  }
0x42: {  	v52 =	vld [tilespmem:$0x130];
	v14 =	vmul.f32 v14, v0;
	(erf) = vpow2.f32 v26  }
0x43: {  	v53 =	vld [tilespmem:$0x330];
	v8 =	vmul.f32 v38, v8;
	v1 =	vadd.f32 v2, v1;
	(erf) = vpow2.f32 v20  }
0x44: {  	v55 =	vld [tilespmem:$0x140];
	v11 =	vmul.f32 v39, v11;
	v4 =	vadd.f32 v5, v4;
	(erf) = vpow2.f32 v23  }
0x45: {  	v60 =	vld [tilespmem:$0x340];
	v58 =	vmul.f32 v16, v0;
	v57 =	vadd.f32 v8, v7;
	[tilespmem:$0x80] =	vst v1;
	v59 =	vpop (erf);
	(erf) = vpow2.f32 v54  }
0x46: {  	v27 =	vld [tilespmem:$0x350];
	[tilespmem:$0x90] =	vst v4;
	v61 =	vadd.f32 v11, v10;
	v8 =	vmul.f32 v59, v63;
	v62 =	vpop (erf);
	(erf) = vpow2.f32 v56  }
0x47: {  	v31 =	vld [tilespmem:$0x160];
	v3 =	vmul.f32 v32, v0;
	[tilespmem:$0xA0] =	vst v57;
	v23 =	vadd.f32 v15, v14;
	v21 =	vpop (erf);
	v9 =	vmul.f32 v62, v34  }
0x48: {  	v6 =	vmul.f32 v35, v0;
	v46 =	vld [tilespmem:$0x370];
	[tilespmem:$0xB0] =	vst v61;
	v28 =	vpop (erf);
	v29 =	vadd.f32 v8, v58;
	v30 =	vmul.f32 v21, v18  }
0x49: {  	v63 =	vld [tilespmem:$0x150];
	v34 =	vmul.f32 v36, v0;
	[tilespmem:$0xC0] =	vst v23;
	v32 =	vpop (erf);
	v33 =	vadd.f32 v9, v3;
	v35 =	vmul.f32 v28, v22  }
0x4a: {  	v39 =	vmul.f32 v24, v0;
	v36 =	vld [tilespmem:$0x360];
	v37 =	vpop (erf);
	[tilespmem:$0xD0] =	vst v29;
	v38 =	vadd.f32 v30, v6;
	v40 =	vmul.f32 v32, v25  }
0x4b: {  	v44 =	vmul.f32 v50, v0;
	v41 =	vld [tilespmem:$0x170];
	[tilespmem:$0xE0] =	vst v33;
	v43 =	vadd.f32 v35, v34;
	v45 =	vmul.f32 v37, v51;
	v42 =	vpop (erf)  }
0x4c: {  	v49 =	vmul.f32 v52, v0;
	[tilespmem:$0xF0] =	vst v38;
	v48 =	vadd.f32 v40, v39;
	v47 =	vpop (erf);
	v2 =	vmul.f32 v42, v53  }
0x4d: {  	v52 =	vmul.f32 v55, v0;
	[tilespmem:$0x100] =	vst v43;
	v51 =	vadd.f32 v45, v44;
	v50 =	vpop (erf);
	v53 =	vmul.f32 v47, v60  }
0x4e: {  	v56 =	vmul.f32 v63, v0;
	[tilespmem:$0x110] =	vst v48;
	v54 =	vpop (erf);
	v2 =	vadd.f32 v2, v49;
	v55 =	vmul.f32 v50, v27  }
0x4f: {  	v58 =	vmul.f32 v31, v0;
	[tilespmem:$0x120] =	vst v51;
	v57 =	vadd.f32 v53, v52;
	v59 =	vmul.f32 v54, v36;
	v60 =	vpop (erf)  }
0x50: {  	v0 =	vmul.f32 v41, v0;
	[tilespmem:$0x130] =	vst v2;
	v61 =	vadd.f32 v55, v56;
	v62 =	vmul.f32 v60, v46  }
0x51: {  	[tilespmem:$0x140] =	vst v57;
	v63 =	vadd.f32 v59, v58  }
0x52: {  	[tilespmem:$0x150] =	vst v61;
	v0 =	vadd.f32 v62, v0  }
0x53: {  	[tilespmem:$0x160] =	vst v63  }
0x54: {  	s31 =	simm.s32 $0x2;
	s2 =	sadd.s32 s2, s4;
	[tilespmem:$0x170] =	vst v0  }
0x55: {  	[hbm4b:s2+s3] =	stream.linear.scatter [tilespmem:s24], [sflag:$0x2], $0x100, $0x38;
	[tilespmem:$0x380] =	vst v63  }
0x56: {  	_ =	swait.ge [sflag:s31], $0x100  }
0x57: {  	[sflag:s31] =	ssyncset.done $0x0  }
0x58: {  	[sflag:s31] =	ssyncadd.s32 $0xFFFFFF00  }
0x59: {  	_ =	sfence.sel $0x180000  }
0x5a: {  	[bflag:$0x0] =	sbarrier.arrive $0xFFFF  }
0x5b: {  	p0 =	sne.s32 s1, $0x0;
	_ =	strace $0x90000047  }
0x5c: {  	s0 =	sadd.s32 @!p0 $0x100000, s0;
	[bflag:$0x2] =	sbarrier.arrive $0xFFFF  }
0x5d: {  	[sflag:s0] =	ssyncadd.tile.s32 @!p0 $0x1;
	_ =	shalt  }
.Lfunc_end2:
_tile_overlayer_lowered:
.L_overlay_start_2:
0x5e: {  	(tag) =	ssettag $0x2  }
0x5f: {  	s0 =	rddreg [dreg:$0x0];
	s2 =	stileid.u32  }
0x60: {  	s1 =	rddreg [dreg:$0x1];
	p0 =	sne.s32 s2, $0x0  }
0x61: {  	s3 =	rddreg [dreg:$0x2];
	[bflag:$0x3] =	sbarrier.arrive $0xFFFF;
	s2 =	simm.s32 @!p0 $0x1C02  }
0x62: {  	[timem:s3], [sflag:s2] =	dma.local @!p0 [hbm:s0], s1  }
0x63: {  	s0 =	simm.s32 @!p0 $0x2  }
0x64: {  	_ =	swait.ge @!p0 [sflag:s0], s1  }
0x65: {  	s1 =	ssub.s32 @!p0 $0x0, s1;
	[sflag:s0] =	ssyncset.done @!p0 $0x0  }
0x66: {  	[sflag:s0] =	ssyncadd.s32 @!p0 s1  }
0x67: {  	[bflag:$0x3] =	sbarrier.arrive $0xFFFF  }
0x68: {  	_ =	shalt  }

</sc_bundles>
